<compile_context>
chip_gen: v7x
topology: tpu7x:2x2x1
jax: 0.10.2.dev20260603
libtpu: 0.0.44.dev20260713+nightly
codegen_flags: <defaults>
</compile_context>

<pallas_src>
import functools
from functools import partial

import jax
import jax.numpy as jnp
from jax import lax
from jax.experimental import pallas as pl
from jax.experimental.pallas import tpu as pltpu
from jax.experimental.pallas import tpu_sc as plsc

N = 2048
E = 8192
D = 128
L = 6
H = 4
DH = D // H
NCLS = 8

BQ = 256
NQ = N // BQ
BK = 256
KB = N // BK
BN_SCALE = 1.0 / (1.0 + 1e-5) ** 0.5

NW = 32
EPW = E // NW
ECH = 128
NJ = EPW // ECH
ROWS_PER_TILE = N // 16


def _sc_scatter_body(table_hbm, row_hbm, col_hbm, zeros_hbm, out_hbm,
                     idx0_v, idx1_v, cidx0_v, cidx1_v,
                     rows0_v, rows1_v, obuf_v, acc_sh,
                     sem_i0, sem_i1, sem_c, sem_g0, sem_g1):
    c = lax.axis_index("c")
    s = lax.axis_index("s")
    wid = s * 2 + c
    base = s * ROWS_PER_TILE
    cp_r0 = pltpu.async_copy(row_hbm.at[wid, 0], idx0_v, sem_i0)
    cp_r1 = pltpu.async_copy(row_hbm.at[wid, 1], idx1_v, sem_i1)
    cp_c0 = pltpu.async_copy(col_hbm.at[wid, 0], cidx0_v, sem_c)
    cp_c1 = pltpu.async_copy(col_hbm.at[wid, 1], cidx1_v, sem_c)
    pltpu.sync_copy(zeros_hbm.at[pl.ds(base, ROWS_PER_TILE)], obuf_v)
    pltpu.sync_copy(obuf_v, acc_sh.at[pl.ds(base, ROWS_PER_TILE)])
    cp_r0.wait()
    g0 = pltpu.async_copy(table_hbm.at[idx0_v], rows0_v, sem_g0)
    cp_r1.wait()
    g1 = pltpu.async_copy(table_hbm.at[idx1_v], rows1_v, sem_g1)
    cp_c0.wait()
    cp_c1.wait()
    plsc.subcore_barrier()
    g0.wait()
    pltpu.sync_copy(rows0_v, acc_sh.at[cidx0_v], add=True)
    g1.wait()
    pltpu.sync_copy(rows1_v, acc_sh.at[cidx1_v], add=True)
    plsc.subcore_barrier()
    pltpu.sync_copy(acc_sh.at[pl.ds(base, ROWS_PER_TILE)], obuf_v)
    pltpu.sync_copy(obuf_v, out_hbm.at[c, pl.ds(base, ROWS_PER_TILE)])


@jax.jit
def _sc_scatter(table, row3, col3, zeros_t):
    return pl.kernel(
        _sc_scatter_body,
        out_type=jax.ShapeDtypeStruct((2, N, D), jnp.float32),
        mesh=plsc.VectorSubcoreMesh(core_axis_name="c", subcore_axis_name="s"),
        scratch_types=[
            pltpu.VMEM((ECH,), jnp.int32),
            pltpu.VMEM((ECH,), jnp.int32),
            pltpu.VMEM((ECH,), jnp.int32),
            pltpu.VMEM((ECH,), jnp.int32),
            pltpu.VMEM((ECH, D), jnp.float32),
            pltpu.VMEM((ECH, D), jnp.float32),
            pltpu.VMEM((ROWS_PER_TILE, D), jnp.float32),
            pltpu.VMEM_SHARED((N, D), jnp.float32),
            pltpu.SemaphoreType.DMA,
            pltpu.SemaphoreType.DMA,
            pltpu.SemaphoreType.DMA,
            pltpu.SemaphoreType.DMA,
            pltpu.SemaphoreType.DMA,
        ],
    )(table, row3, col3, zeros_t)


def _dotT(a, b):
    return lax.dot_general(a, b, (((1,), (1,)), ((), ())),
                           preferred_element_type=jnp.float32)


def _dot(a, b):
    return lax.dot_general(a, b, (((1,), (0,)), ((), ())),
                           preferred_element_type=jnp.float32)


import math
_QKV_SCALE = math.log2(math.e) / (float(DH) ** 0.5)


def _emit_qkv(h, inW_ref, bq_ref, bk_ref, bv_ref, q_ref, kt_ref, v_ref):
    Wq = inW_ref[0:D, :]
    Wk = inW_ref[D:2 * D, :]
    Wv = inW_ref[2 * D:3 * D, :]
    q_ref[...] = (_dotT(h, Wq) + bq_ref[...]) * _QKV_SCALE
    kt_ref[...] = _dotT(Wk, h) + bk_ref[...]
    v_ref[...] = _dotT(h, Wv) + bv_ref[...]


def _attn_block(q_ref, kt_ref, v_ref, s_ref):
    o_parts = []
    for hh in range(H):
        hsl = slice(hh * DH, (hh + 1) * DH)
        qh = q_ref[:, hsl]
        kth = kt_ref[hsl, :]
        m = jnp.full((BQ, 1), -jnp.inf, jnp.float32)
        for kb in range(KB):
            sc = _dot(qh, kth[:, kb * BK:(kb + 1) * BK])
            s_ref[:, kb * BK:(kb + 1) * BK] = sc
            m = jnp.maximum(m, jnp.max(sc, axis=1, keepdims=True))
        acc = jnp.zeros((BQ, DH), jnp.float32)
        den = jnp.zeros((BQ, 1), jnp.float32)
        for kb in range(KB):
            e = jnp.exp2(s_ref[:, kb * BK:(kb + 1) * BK] - m)
            den = den + jnp.sum(e, axis=1, keepdims=True)
            acc = acc + _dot(e.astype(jnp.bfloat16),
                             v_ref[kb * BK:(kb + 1) * BK,
                                   hsl].astype(jnp.bfloat16))
        o_parts.append(acc / den)
    return jnp.concatenate(o_parts, axis=1)


_QKV_OUT_SPECS = [
    pl.BlockSpec((BQ, D), lambda i: (i, 0)),
    pl.BlockSpec((D, BQ), lambda i: (0, i)),
    pl.BlockSpec((BQ, D), lambda i: (i, 0)),
]
_QKV_OUT_SHAPES = [
    jax.ShapeDtypeStruct((N, D), jnp.float32),
    jax.ShapeDtypeStruct((D, N), jnp.float32),
    jax.ShapeDtypeStruct((N, D), jnp.float32),
]
_QKV_IN_SPECS = [
    pl.BlockSpec((3 * D, D), lambda i: (0, 0)),
    pl.BlockSpec((1, D), lambda i: (0, 0)),
    pl.BlockSpec((D, 1), lambda i: (0, 0)),
    pl.BlockSpec((1, D), lambda i: (0, 0)),
]


def _prologue_body(x_ref, embW_ref, embb_ref, W0_ref, degS_ref,
                   inW_ref, bq_ref, bk_ref, bv_ref,
                   h0_ref, dinv_ref, g0_ref, q_ref, kt_ref, v_ref):
    deg = degS_ref[0] + degS_ref[1] + 1.0
    dinv = lax.rsqrt(deg)
    xe = _dotT(x_ref[...], embW_ref[...]) + embb_ref[...]
    h0 = jnp.where(xe > 0, xe, 0.01 * xe)
    h0_ref[...] = h0
    dinv_ref[...] = dinv
    g0_ref[...] = dinv * _dotT(h0, W0_ref[...])
    _emit_qkv(h0, inW_ref, bq_ref, bk_ref, bv_ref, q_ref, kt_ref, v_ref)


def _prologue(x, embW, embb2, W0, degS, inW, bqc, bk2, bvc):
    return pl.pallas_call(
        _prologue_body,
        grid=(NQ,),
        in_specs=[
            pl.BlockSpec((BQ, 2), lambda i: (i, 0)),
            pl.BlockSpec((D, 2), lambda i: (0, 0)),
            pl.BlockSpec((1, D), lambda i: (0, 0)),
            pl.BlockSpec((D, D), lambda i: (0, 0)),
            pl.BlockSpec((2, BQ, D), lambda i: (0, i, 0)),
        ] + _QKV_IN_SPECS,
        out_specs=[
            pl.BlockSpec((BQ, D), lambda i: (i, 0)),
            pl.BlockSpec((BQ, D), lambda i: (i, 0)),
            pl.BlockSpec((BQ, D), lambda i: (i, 0)),
        ] + _QKV_OUT_SPECS,
        out_shape=[
            jax.ShapeDtypeStruct((N, D), jnp.float32),
            jax.ShapeDtypeStruct((N, D), jnp.float32),
            jax.ShapeDtypeStruct((N, D), jnp.float32),
        ] + _QKV_OUT_SHAPES,
    )(x, embW, embb2, W0, degS, inW, bqc, bk2, bvc)


def _attnpost_body(q_ref, kt_ref, v_ref, h_ref, S_ref, g_ref, dinv_ref,
                   gcnb_ref, bn1g_ref, bn1b_ref,
                   outW_ref, outb_ref, bn2g_ref, bn2b_ref,
                   W1_ref, b1_ref, W2_ref, b2_ref, bn3g_ref, bn3b_ref,
                   Wn_ref, inW_ref, bq_ref, bk_ref, bv_ref,
                   hn_ref, gn_ref, qn_ref, ktn_ref, vn_ref, s_ref):
    o = _attn_block(q_ref, kt_ref, v_ref, s_ref)
    h = h_ref[...]
    dinv = dinv_ref[...]
    agg = dinv * (S_ref[0] + S_ref[1] + g_ref[...]) + gcnb_ref[...]
    h1 = (agg + h) * (BN_SCALE * bn1g_ref[...]) + bn1b_ref[...]
    h2 = _dotT(o, outW_ref[...]) + outb_ref[...]
    h2 = (h2 + h) * (BN_SCALE * bn2g_ref[...]) + bn2b_ref[...]
    out = h1 + h2
    mm = _dotT(out, W1_ref[...]) + b1_ref[...]
    mm = jnp.maximum(mm, 0.0)
    mm2 = _dotT(mm, W2_ref[...]) + b2_ref[...]
    out2 = (out + mm2) * (BN_SCALE * bn3g_ref[...]) + bn3b_ref[...]
    hn_ref[...] = out2
    gn_ref[...] = dinv * _dotT(out2, Wn_ref[...])
    _emit_qkv(out2, inW_ref, bq_ref, bk_ref, bv_ref,
              qn_ref, ktn_ref, vn_ref)


def _attnpost(q, kt, v, h, S, g, dinv, gcnb2, bn1g2, bn1b2,
              outW, outb2, bn2g2, bn2b2, W1, b12, W2, b22,
              bn3g2, bn3b2, Wn, inW, bq2, bkc, bv2):
    return pl.pallas_call(
        _attnpost_body,
        grid=(NQ,),
        in_specs=[
            pl.BlockSpec((BQ, D), lambda i: (i, 0)),
            pl.BlockSpec((D, N), lambda i: (0, 0)),
            pl.BlockSpec((N, D), lambda i: (0, 0)),
            pl.BlockSpec((BQ, D), lambda i: (i, 0)),
            pl.BlockSpec((2, BQ, D), lambda i: (0, i, 0)),
            pl.BlockSpec((BQ, D), lambda i: (i, 0)),
            pl.BlockSpec((BQ, D), lambda i: (i, 0)),
            pl.BlockSpec((1, D), lambda i: (0, 0)),
            pl.BlockSpec((1, D), lambda i: (0, 0)),
            pl.BlockSpec((1, D), lambda i: (0, 0)),
            pl.BlockSpec((D, D), lambda i: (0, 0)),
            pl.BlockSpec((1, D), lambda i: (0, 0)),
            pl.BlockSpec((1, D), lambda i: (0, 0)),
            pl.BlockSpec((1, D), lambda i: (0, 0)),
            pl.BlockSpec((2 * D, D), lambda i: (0, 0)),
            pl.BlockSpec((1, 2 * D), lambda i: (0, 0)),
            pl.BlockSpec((D, 2 * D), lambda i: (0, 0)),
            pl.BlockSpec((1, D), lambda i: (0, 0)),
            pl.BlockSpec((1, D), lambda i: (0, 0)),
            pl.BlockSpec((1, D), lambda i: (0, 0)),
            pl.BlockSpec((D, D), lambda i: (0, 0)),
        ] + _QKV_IN_SPECS,
        out_specs=[
            pl.BlockSpec((BQ, D), lambda i: (i, 0)),
            pl.BlockSpec((BQ, D), lambda i: (i, 0)),
        ] + _QKV_OUT_SPECS,
        out_shape=[
            jax.ShapeDtypeStruct((N, D), jnp.float32),
            jax.ShapeDtypeStruct((N, D), jnp.float32),
        ] + _QKV_OUT_SHAPES,
        scratch_shapes=[pltpu.VMEM((BQ, N), jnp.float32)],
    )(q, kt, v, h, S, g, dinv, gcnb2, bn1g2, bn1b2, outW, outb2,
      bn2g2, bn2b2, W1, b12, W2, b22, bn3g2, bn3b2, Wn, inW, bq2, bkc, bv2)


def _epilogue_body(h_ref, clsW_ref, clsb_ref, out_ref, acc_ref):
    i = pl.program_id(0)

    @pl.when(i == 0)
    def _():
        acc_ref[...] = jnp.zeros((1, D), jnp.float32)

    acc_ref[...] += jnp.sum(h_ref[...], axis=0, keepdims=True)

    @pl.when(i == NQ - 1)
    def _():
        pooled = acc_ref[...] * (1.0 / N)
        out_ref[...] = _dotT(pooled, clsW_ref[...]) + clsb_ref[...]


def _epilogue(h, clsW, clsb2):
    return pl.pallas_call(
        _epilogue_body,
        grid=(NQ,),
        in_specs=[
            pl.BlockSpec((BQ, D), lambda i: (i, 0)),
            pl.BlockSpec((NCLS, D), lambda i: (0, 0)),
            pl.BlockSpec((1, NCLS), lambda i: (0, 0)),
        ],
        out_specs=pl.BlockSpec((1, NCLS), lambda i: (0, 0)),
        out_shape=jax.ShapeDtypeStruct((1, NCLS), jnp.float32),
        scratch_shapes=[pltpu.VMEM((1, D), jnp.float32)],
    )(h, clsW, clsb2)


def kernel(x, edge_index, emb_W, emb_b, gcn_W, gcn_b, bn1_g, bn1_b,
           attn_in_W, attn_in_b, attn_out_W, attn_out_b, bn2_g, bn2_b,
           mlp_W1, mlp_b1, mlp_W2, mlp_b2, bn3_g, bn3_b, cls_W, cls_b):
    row3 = edge_index[0].reshape(NW, NJ, ECH)
    col3 = edge_index[1].reshape(NW, NJ, ECH)
    zeros_t = jnp.zeros((N, D), jnp.float32)
    ones_t = jnp.ones((N, D), jnp.float32)

    def qkv_args(i):
        inb = attn_in_b[i]
        return (attn_in_W[i], inb[0:D].reshape(1, D),
                inb[D:2 * D].reshape(D, 1), inb[2 * D:3 * D].reshape(1, D))

    degS = _sc_scatter(ones_t, row3, col3, zeros_t)
    h, dinv, g, q, kt, v = _prologue(
        x, emb_W, emb_b.reshape(1, D), gcn_W[0], degS, *qkv_args(0))

    for i in range(L):
        S = _sc_scatter(g, row3, col3, zeros_t)
        h, g, q, kt, v = _attnpost(
            q, kt, v, h, S, g, dinv, gcn_b[i].reshape(1, D),
            bn1_g[i].reshape(1, D), bn1_b[i].reshape(1, D),
            attn_out_W[i], attn_out_b[i].reshape(1, D),
            bn2_g[i].reshape(1, D), bn2_b[i].reshape(1, D),
            mlp_W1[i], mlp_b1[i].reshape(1, 2 * D),
            mlp_W2[i], mlp_b2[i].reshape(1, D),
            bn3_g[i].reshape(1, D), bn3_b[i].reshape(1, D),
            gcn_W[(i + 1) % L], *qkv_args((i + 1) % L))

    logits = _epilogue(h, cls_W, cls_b.reshape(1, NCLS))
    return logits.reshape(NCLS)

# --- scband reference (transcript-rebuilt; emitter-appended) ---
"""Pipeline reference for scband-my-model-17179869184056 (READ-ONLY COPY).

The authoritative reference and input builder live on the scoring server;
editing this copy changes nothing except your own understanding.
"""

import jax, jax.numpy as jnp
import numpy as np

N = 2048
E = 8192
D = 128
L = 6
H = 4
DH = D // H
NC = 8

def setup_inputs(seed: int = 0):
    key = jax.random.key(seed)
    ks = jax.random.split(key, 12)
    s = 0.05
    inp = {}
    inp["x"] = jax.random.normal(ks[0], (N, 2), dtype=jnp.float32)
    inp["edge_index"] = jax.random.randint(ks[1], (2, E), 0, N, dtype=jnp.int32)
    inp["emb_W"] = jax.random.normal(ks[2], (D, 2), dtype=jnp.float32) * s
    inp["emb_b"] = jnp.zeros((D,), jnp.float32)
    inp["gcn_W"] = jax.random.normal(ks[3], (L, D, D), dtype=jnp.float32) * s
    inp["gcn_b"] = jnp.zeros((L, D), jnp.float32)
    inp["bn1_g"] = jnp.ones((L, D), jnp.float32)
    inp["bn1_b"] = jnp.zeros((L, D), jnp.float32)
    inp["attn_in_W"] = jax.random.normal(ks[4], (L, 3 * D, D), dtype=jnp.float32) * s
    inp["attn_in_b"] = jnp.zeros((L, 3 * D), jnp.float32)
    inp["attn_out_W"] = jax.random.normal(ks[5], (L, D, D), dtype=jnp.float32) * s
    inp["attn_out_b"] = jnp.zeros((L, D), jnp.float32)
    inp["bn2_g"] = jnp.ones((L, D), jnp.float32)
    inp["bn2_b"] = jnp.zeros((L, D), jnp.float32)
    inp["mlp_W1"] = jax.random.normal(ks[6], (L, 2 * D, D), dtype=jnp.float32) * s
    inp["mlp_b1"] = jnp.zeros((L, 2 * D), jnp.float32)
    inp["mlp_W2"] = jax.random.normal(ks[7], (L, D, 2 * D), dtype=jnp.float32) * s
    inp["mlp_b2"] = jnp.zeros((L, D), jnp.float32)
    inp["bn3_g"] = jnp.ones((L, D), jnp.float32)
    inp["bn3_b"] = jnp.zeros((L, D), jnp.float32)
    inp["cls_W"] = jax.random.normal(ks[8], (NC, D), dtype=jnp.float32) * s
    inp["cls_b"] = jnp.zeros((NC,), jnp.float32)
    return inp

def _bn_eval(h, g, b):
    # BatchNorm in eval mode with fresh running stats (mean=0, var=1)
    return h / jnp.sqrt(1.0 + 1e-5) * g + b

def _gcn(h, W, b, row, col):
    # GCNConv with added self-loops and symmetric normalization
    hw = h @ W.T
    ones = jnp.ones((row.shape[0],), jnp.float32)
    deg = jax.ops.segment_sum(ones, col, num_segments=N) + 1.0
    dinv = 1.0 / jnp.sqrt(deg)
    norm = dinv[row] * dinv[col]
    msg = hw[row] * norm[:, None]
    agg = jax.ops.segment_sum(msg, col, num_segments=N)
    agg = agg + hw * (dinv * dinv)[:, None]
    return agg + b

def _mha(h, inW, inb, outW, outb):
    qkv = h @ inW.T + inb
    q, k, v = jnp.split(qkv, 3, axis=-1)
    q = q.reshape(N, H, DH).transpose(1, 0, 2)
    k = k.reshape(N, H, DH).transpose(1, 0, 2)
    v = v.reshape(N, H, DH).transpose(1, 0, 2)
    att = jnp.einsum('hid,hjd->hij', q, k) / jnp.sqrt(float(DH))
    att = jax.nn.softmax(att, axis=-1)
    o = jnp.einsum('hij,hjd->hid', att, v)
    o = o.transpose(1, 0, 2).reshape(N, D)
    return o @ outW.T + outb

def reference(x, edge_index, emb_W, emb_b, gcn_W, gcn_b, bn1_g, bn1_b, attn_in_W, attn_in_b, attn_out_W, attn_out_b, bn2_g, bn2_b, mlp_W1, mlp_b1, mlp_W2, mlp_b2, bn3_g, bn3_b, cls_W, cls_b):
    row = edge_index[0]
    col = edge_index[1]
    h = jax.nn.leaky_relu(x @ emb_W.T + emb_b, negative_slope=0.01)
    for i in range(L):
        # GPSConv layer (eval mode, dropout disabled)
        h1 = _gcn(h, gcn_W[i], gcn_b[i], row, col)
        h1 = _bn_eval(h1 + h, bn1_g[i], bn1_b[i])
        h2 = _mha(h, attn_in_W[i], attn_in_b[i], attn_out_W[i], attn_out_b[i])
        h2 = _bn_eval(h2 + h, bn2_g[i], bn2_b[i])
        out = h1 + h2
        m = jax.nn.relu(out @ mlp_W1[i].T + mlp_b1[i]) @ mlp_W2[i].T + mlp_b2[i]
        out = _bn_eval(out + m, bn3_g[i], bn3_b[i])
        h = out
    pooled = jnp.mean(h, axis=0)
    return pooled @ cls_W.T + cls_b

if __name__ == "__main__":
    import jax
    _d = setup_inputs()
    print(jax.jit(kernel)(*tuple(_d.values())))

</pallas_src>

<mosaic_0001>
#map = affine_map<(d0, d1) -> (0, 0)>
#map1 = affine_map<(d0, d1) -> (0, 0, 0)>
module attributes {stable_mosaic.version = 14 : i64} {
  func.func @_sc_scatter_body(%arg0: i32, %arg1: i32, %arg2: memref<2048x128xf32, #tpu.memory_space<hbm>>, %arg3: memref<32x2x128xi32, #tpu.memory_space<hbm>>, %arg4: memref<32x2x128xi32, #tpu.memory_space<hbm>>, %arg5: memref<2048x128xf32, #tpu.memory_space<hbm>>, %arg6: memref<2x2048x128xf32, #tpu.memory_space<hbm>>, %arg7: memref<128xi32, #tpu.memory_space<vmem>>, %arg8: memref<128xi32, #tpu.memory_space<vmem>>, %arg9: memref<128xi32, #tpu.memory_space<vmem>>, %arg10: memref<128xi32, #tpu.memory_space<vmem>>, %arg11: memref<128x128xf32, #tpu.memory_space<vmem>>, %arg12: memref<128x128xf32, #tpu.memory_space<vmem>>, %arg13: memref<128x128xf32, #tpu.memory_space<vmem>>, %arg14: memref<2048x128xf32, #tpu.memory_space<vmem_shared>>, %arg15: memref<!tpu.dma_semaphore, #tpu.memory_space<semaphore_mem>>, %arg16: memref<!tpu.dma_semaphore, #tpu.memory_space<semaphore_mem>>, %arg17: memref<!tpu.dma_semaphore, #tpu.memory_space<semaphore_mem>>, %arg18: memref<!tpu.dma_semaphore, #tpu.memory_space<semaphore_mem>>, %arg19: memref<!tpu.dma_semaphore, #tpu.memory_space<semaphore_mem>>) attributes {dimension_semantics = [#tpu.dimension_semantics<core_parallel>, #tpu.dimension_semantics<subcore_parallel>], iteration_bounds = array<i64: 2, 16>, scalar_prefetch = 0 : i64, scratch_operands = 13 : i64, tpu.core_type = #tpu.core_type<sc_vector_subcore>, window_params = [{transform_indices = #map}, {transform_indices = #map1}, {transform_indices = #map1}, {transform_indices = #map}, {transform_indices = #map1}]} {
    %mul3A = arith.constant 2 : i32
    %mul3A_0 = arith.muli %arg1, %mul3A : i32
    %add3A = arith.addi %mul3A_0, %arg0 : i32
    %mul3A_1 = arith.constant 128 : i32
    %mul3A_2 = arith.muli %arg1, %mul3A_1 : i32
    %dma_start3A = arith.constant 0 : i32
    %dma_start3A_3 = arith.constant 0 : i32
    %dma_start3A_4 = tpu.memref_slice %arg3[%add3A, %dma_start3A, %dma_start3A_3] : memref<32x2x128xi32, #tpu.memory_space<hbm>> -> memref<1x1x128xi32, #tpu.memory_space<hbm>>
    %dma_start3A_5 = tpu.memref_squeeze %dma_start3A_4 : memref<1x1x128xi32, #tpu.memory_space<hbm>> -> memref<128xi32, #tpu.memory_space<hbm>>
    %dma_start3A_6 = arith.constant 0 : i32
    %dma_start3A_7 = tpu.memref_slice %arg3[%add3A, %dma_start3A, %dma_start3A_6] : memref<32x2x128xi32, #tpu.memory_space<hbm>> -> memref<1x1x128xi32, #tpu.memory_space<hbm>>
    %dma_start3A_8 = tpu.memref_squeeze %dma_start3A_7 : memref<1x1x128xi32, #tpu.memory_space<hbm>> -> memref<128xi32, #tpu.memory_space<hbm>>
    tpu.enqueue_dma source(%dma_start3A_8 : memref<128xi32, #tpu.memory_space<hbm>>) target(%arg7 : memref<128xi32, #tpu.memory_space<vmem>>) target_semaphore(%arg15 : memref<!tpu.dma_semaphore, #tpu.memory_space<semaphore_mem>>)
    %dma_start3A_9 = arith.constant 1 : i32
    %dma_start3A_10 = arith.constant 0 : i32
    %dma_start3A_11 = tpu.memref_slice %arg3[%add3A, %dma_start3A_9, %dma_start3A_10] : memref<32x2x128xi32, #tpu.memory_space<hbm>> -> memref<1x1x128xi32, #tpu.memory_space<hbm>>
    %dma_start3A_12 = tpu.memref_squeeze %dma_start3A_11 : memref<1x1x128xi32, #tpu.memory_space<hbm>> -> memref<128xi32, #tpu.memory_space<hbm>>
    %dma_start3A_13 = arith.constant 0 : i32
    %dma_start3A_14 = tpu.memref_slice %arg3[%add3A, %dma_start3A_9, %dma_start3A_13] : memref<32x2x128xi32, #tpu.memory_space<hbm>> -> memref<1x1x128xi32, #tpu.memory_space<hbm>>
    %dma_start3A_15 = tpu.memref_squeeze %dma_start3A_14 : memref<1x1x128xi32, #tpu.memory_space<hbm>> -> memref<128xi32, #tpu.memory_space<hbm>>
    tpu.enqueue_dma source(%dma_start3A_15 : memref<128xi32, #tpu.memory_space<hbm>>) target(%arg8 : memref<128xi32, #tpu.memory_space<vmem>>) target_semaphore(%arg16 : memref<!tpu.dma_semaphore, #tpu.memory_space<semaphore_mem>>)
    %dma_start3A_16 = arith.constant 0 : i32
    %dma_start3A_17 = arith.constant 0 : i32
    %dma_start3A_18 = tpu.memref_slice %arg4[%add3A, %dma_start3A_16, %dma_start3A_17] : memref<32x2x128xi32, #tpu.memory_space<hbm>> -> memref<1x1x128xi32, #tpu.memory_space<hbm>>
    %dma_start3A_19 = tpu.memref_squeeze %dma_start3A_18 : memref<1x1x128xi32, #tpu.memory_space<hbm>> -> memref<128xi32, #tpu.memory_space<hbm>>
    %dma_start3A_20 = arith.constant 0 : i32
    %dma_start3A_21 = tpu.memref_slice %arg4[%add3A, %dma_start3A_16, %dma_start3A_20] : memref<32x2x128xi32, #tpu.memory_space<hbm>> -> memref<1x1x128xi32, #tpu.memory_space<hbm>>
    %dma_start3A_22 = tpu.memref_squeeze %dma_start3A_21 : memref<1x1x128xi32, #tpu.memory_space<hbm>> -> memref<128xi32, #tpu.memory_space<hbm>>
    tpu.enqueue_dma source(%dma_start3A_22 : memref<128xi32, #tpu.memory_space<hbm>>) target(%arg9 : memref<128xi32, #tpu.memory_space<vmem>>) target_semaphore(%arg17 : memref<!tpu.dma_semaphore, #tpu.memory_space<semaphore_mem>>)
    %dma_start3A_23 = arith.constant 1 : i32
    %dma_start3A_24 = arith.constant 0 : i32
    %dma_start3A_25 = tpu.memref_slice %arg4[%add3A, %dma_start3A_23, %dma_start3A_24] : memref<32x2x128xi32, #tpu.memory_space<hbm>> -> memref<1x1x128xi32, #tpu.memory_space<hbm>>
    %dma_start3A_26 = tpu.memref_squeeze %dma_start3A_25 : memref<1x1x128xi32, #tpu.memory_space<hbm>> -> memref<128xi32, #tpu.memory_space<hbm>>
    %dma_start3A_27 = arith.constant 0 : i32
    %dma_start3A_28 = tpu.memref_slice %arg4[%add3A, %dma_start3A_23, %dma_start3A_27] : memref<32x2x128xi32, #tpu.memory_space<hbm>> -> memref<1x1x128xi32, #tpu.memory_space<hbm>>
    %dma_start3A_29 = tpu.memref_squeeze %dma_start3A_28 : memref<1x1x128xi32, #tpu.memory_space<hbm>> -> memref<128xi32, #tpu.memory_space<hbm>>
    tpu.enqueue_dma source(%dma_start3A_29 : memref<128xi32, #tpu.memory_space<hbm>>) target(%arg10 : memref<128xi32, #tpu.memory_space<vmem>>) target_semaphore(%arg17 : memref<!tpu.dma_semaphore, #tpu.memory_space<semaphore_mem>>)
    "tpu.region"() ({
      %run_scoped3A = tpu.sem_alloc : memref<!tpu.dma_semaphore, #tpu.memory_space<semaphore_mem>>
      %dma_start3A_70 = arith.constant 0 : i32
      %dma_start3A_71 = tpu.memref_slice %arg5[%mul3A_2, %dma_start3A_70] : memref<2048x128xf32, #tpu.memory_space<hbm>> -> memref<128x128xf32, #tpu.memory_space<hbm>>
      %dma_start3A_72 = arith.constant 0 : i32
      %dma_start3A_73 = tpu.memref_slice %arg5[%mul3A_2, %dma_start3A_72] : memref<2048x128xf32, #tpu.memory_space<hbm>> -> memref<128x128xf32, #tpu.memory_space<hbm>>
      tpu.enqueue_dma source(%dma_start3A_73 : memref<128x128xf32, #tpu.memory_space<hbm>>) target(%arg13 : memref<128x128xf32, #tpu.memory_space<vmem>>) target_semaphore(%run_scoped3A : memref<!tpu.dma_semaphore, #tpu.memory_space<semaphore_mem>>)
      %dma_wait3A_74 = arith.constant 0 : i32
      %dma_wait3A_75 = tpu.memref_slice %arg5[%mul3A_2, %dma_wait3A_74] : memref<2048x128xf32, #tpu.memory_space<hbm>> -> memref<128x128xf32, #tpu.memory_space<hbm>>
      %dma_wait3A_76 = arith.constant 0 : i32
      %dma_wait3A_77 = tpu.memref_slice %arg5[%mul3A_2, %dma_wait3A_76] : memref<2048x128xf32, #tpu.memory_space<hbm>> -> memref<128x128xf32, #tpu.memory_space<hbm>>
      tpu.wait_dma2 semaphore(%run_scoped3A : memref<!tpu.dma_semaphore, #tpu.memory_space<semaphore_mem>>) src(%dma_wait3A_77 : memref<128x128xf32, #tpu.memory_space<hbm>>) dst(%arg13 : memref<128x128xf32, #tpu.memory_space<vmem>>)
      tpu.yield
    }) : () -> ()
    "tpu.region"() ({
      %run_scoped3A = tpu.sem_alloc : memref<!tpu.dma_semaphore, #tpu.memory_space<semaphore_mem>>
      %dma_start3A_70 = arith.constant 0 : i32
      %dma_start3A_71 = tpu.memref_slice %arg14[%mul3A_2, %dma_start3A_70] : memref<2048x128xf32, #tpu.memory_space<vmem_shared>> -> memref<128x128xf32, #tpu.memory_space<vmem_shared>>
      %dma_start3A_72 = arith.constant 0 : i32
      %dma_start3A_73 = tpu.memref_slice %arg14[%mul3A_2, %dma_start3A_72] : memref<2048x128xf32, #tpu.memory_space<vmem_shared>> -> memref<128x128xf32, #tpu.memory_space<vmem_shared>>
      tpu.enqueue_dma source(%arg13 : memref<128x128xf32, #tpu.memory_space<vmem>>) target(%dma_start3A_73 : memref<128x128xf32, #tpu.memory_space<vmem_shared>>) target_semaphore(%run_scoped3A : memref<!tpu.dma_semaphore, #tpu.memory_space<semaphore_mem>>)
      %dma_wait3A_74 = arith.constant 0 : i32
      %dma_wait3A_75 = tpu.memref_slice %arg14[%mul3A_2, %dma_wait3A_74] : memref<2048x128xf32, #tpu.memory_space<vmem_shared>> -> memref<128x128xf32, #tpu.memory_space<vmem_shared>>
      %dma_wait3A_76 = arith.constant 0 : i32
      %dma_wait3A_77 = tpu.memref_slice %arg14[%mul3A_2, %dma_wait3A_76] : memref<2048x128xf32, #tpu.memory_space<vmem_shared>> -> memref<128x128xf32, #tpu.memory_space<vmem_shared>>
      tpu.wait_dma2 semaphore(%run_scoped3A : memref<!tpu.dma_semaphore, #tpu.memory_space<semaphore_mem>>) src(%arg13 : memref<128x128xf32, #tpu.memory_space<vmem>>) dst(%dma_wait3A_77 : memref<128x128xf32, #tpu.memory_space<vmem_shared>>)
      tpu.yield
    }) : () -> ()
    %dma_wait3A = arith.constant 0 : i32
    %dma_wait3A_30 = arith.constant 0 : i32
    %dma_wait3A_31 = tpu.memref_slice %arg3[%add3A, %dma_wait3A, %dma_wait3A_30] : memref<32x2x128xi32, #tpu.memory_space<hbm>> -> memref<1x1x128xi32, #tpu.memory_space<hbm>>
    %dma_wait3A_32 = tpu.memref_squeeze %dma_wait3A_31 : memref<1x1x128xi32, #tpu.memory_space<hbm>> -> memref<128xi32, #tpu.memory_space<hbm>>
    %dma_wait3A_33 = arith.constant 0 : i32
    %dma_wait3A_34 = tpu.memref_slice %arg3[%add3A, %dma_wait3A, %dma_wait3A_33] : memref<32x2x128xi32, #tpu.memory_space<hbm>> -> memref<1x1x128xi32, #tpu.memory_space<hbm>>
    %dma_wait3A_35 = tpu.memref_squeeze %dma_wait3A_34 : memref<1x1x128xi32, #tpu.memory_space<hbm>> -> memref<128xi32, #tpu.memory_space<hbm>>
    tpu.wait_dma2 semaphore(%arg15 : memref<!tpu.dma_semaphore, #tpu.memory_space<semaphore_mem>>) src(%dma_wait3A_35 : memref<128xi32, #tpu.memory_space<hbm>>) dst(%arg7 : memref<128xi32, #tpu.memory_space<vmem>>)
    %dma_start3A_36 = arith.constant 0 : i32
    %dma_start3A_37 = arith.constant 0 : i32
    %dma_start3A_38 = tpu.memref_slice %arg2[%dma_start3A_36, %dma_start3A_37] : memref<2048x128xf32, #tpu.memory_space<hbm>> -> memref<2048x128xf32, #tpu.memory_space<hbm>>
    tpu.enqueue_indirect_dma source(%dma_start3A_38 : memref<2048x128xf32, #tpu.memory_space<hbm>>) target(%arg11 : memref<128x128xf32, #tpu.memory_space<vmem>>) offsets(%arg7 : memref<128xi32, #tpu.memory_space<vmem>>) semaphore(%arg18 : memref<!tpu.dma_semaphore, #tpu.memory_space<semaphore_mem>>)
    %dma_wait3A_39 = arith.constant 1 : i32
    %dma_wait3A_40 = arith.constant 0 : i32
    %dma_wait3A_41 = tpu.memref_slice %arg3[%add3A, %dma_wait3A_39, %dma_wait3A_40] : memref<32x2x128xi32, #tpu.memory_space<hbm>> -> memref<1x1x128xi32, #tpu.memory_space<hbm>>
    %dma_wait3A_42 = tpu.memref_squeeze %dma_wait3A_41 : memref<1x1x128xi32, #tpu.memory_space<hbm>> -> memref<128xi32, #tpu.memory_space<hbm>>
    %dma_wait3A_43 = arith.constant 0 : i32
    %dma_wait3A_44 = tpu.memref_slice %arg3[%add3A, %dma_wait3A_39, %dma_wait3A_43] : memref<32x2x128xi32, #tpu.memory_space<hbm>> -> memref<1x1x128xi32, #tpu.memory_space<hbm>>
    %dma_wait3A_45 = tpu.memref_squeeze %dma_wait3A_44 : memref<1x1x128xi32, #tpu.memory_space<hbm>> -> memref<128xi32, #tpu.memory_space<hbm>>
    tpu.wait_dma2 semaphore(%arg16 : memref<!tpu.dma_semaphore, #tpu.memory_space<semaphore_mem>>) src(%dma_wait3A_45 : memref<128xi32, #tpu.memory_space<hbm>>) dst(%arg8 : memref<128xi32, #tpu.memory_space<vmem>>)
    %dma_start3A_46 = arith.constant 0 : i32
    %dma_start3A_47 = arith.constant 0 : i32
    %dma_start3A_48 = tpu.memref_slice %arg2[%dma_start3A_46, %dma_start3A_47] : memref<2048x128xf32, #tpu.memory_space<hbm>> -> memref<2048x128xf32, #tpu.memory_space<hbm>>
    tpu.enqueue_indirect_dma source(%dma_start3A_48 : memref<2048x128xf32, #tpu.memory_space<hbm>>) target(%arg12 : memref<128x128xf32, #tpu.memory_space<vmem>>) offsets(%arg8 : memref<128xi32, #tpu.memory_space<vmem>>) semaphore(%arg19 : memref<!tpu.dma_semaphore, #tpu.memory_space<semaphore_mem>>)
    %dma_wait3A_49 = arith.constant 0 : i32
    %dma_wait3A_50 = arith.constant 0 : i32
    %dma_wait3A_51 = tpu.memref_slice %arg4[%add3A, %dma_wait3A_49, %dma_wait3A_50] : memref<32x2x128xi32, #tpu.memory_space<hbm>> -> memref<1x1x128xi32, #tpu.memory_space<hbm>>
    %dma_wait3A_52 = tpu.memref_squeeze %dma_wait3A_51 : memref<1x1x128xi32, #tpu.memory_space<hbm>> -> memref<128xi32, #tpu.memory_space<hbm>>
    %dma_wait3A_53 = arith.constant 0 : i32
    %dma_wait3A_54 = tpu.memref_slice %arg4[%add3A, %dma_wait3A_49, %dma_wait3A_53] : memref<32x2x128xi32, #tpu.memory_space<hbm>> -> memref<1x1x128xi32, #tpu.memory_space<hbm>>
    %dma_wait3A_55 = tpu.memref_squeeze %dma_wait3A_54 : memref<1x1x128xi32, #tpu.memory_space<hbm>> -> memref<128xi32, #tpu.memory_space<hbm>>
    tpu.wait_dma2 semaphore(%arg17 : memref<!tpu.dma_semaphore, #tpu.memory_space<semaphore_mem>>) src(%dma_wait3A_55 : memref<128xi32, #tpu.memory_space<hbm>>) dst(%arg9 : memref<128xi32, #tpu.memory_space<vmem>>)
    %dma_wait3A_56 = arith.constant 1 : i32
    %dma_wait3A_57 = arith.constant 0 : i32
    %dma_wait3A_58 = tpu.memref_slice %arg4[%add3A, %dma_wait3A_56, %dma_wait3A_57] : memref<32x2x128xi32, #tpu.memory_space<hbm>> -> memref<1x1x128xi32, #tpu.memory_space<hbm>>
    %dma_wait3A_59 = tpu.memref_squeeze %dma_wait3A_58 : memref<1x1x128xi32, #tpu.memory_space<hbm>> -> memref<128xi32, #tpu.memory_space<hbm>>
    %dma_wait3A_60 = arith.constant 0 : i32
    %dma_wait3A_61 = tpu.memref_slice %arg4[%add3A, %dma_wait3A_56, %dma_wait3A_60] : memref<32x2x128xi32, #tpu.memory_space<hbm>> -> memref<1x1x128xi32, #tpu.memory_space<hbm>>
    %dma_wait3A_62 = tpu.memref_squeeze %dma_wait3A_61 : memref<1x1x128xi32, #tpu.memory_space<hbm>> -> memref<128xi32, #tpu.memory_space<hbm>>
    tpu.wait_dma2 semaphore(%arg17 : memref<!tpu.dma_semaphore, #tpu.memory_space<semaphore_mem>>) src(%dma_wait3A_62 : memref<128xi32, #tpu.memory_space<hbm>>) dst(%arg10 : memref<128xi32, #tpu.memory_space<vmem>>)
    %barrier3A = arith.constant 0 : index
    tpu.barrier barrier_id(%barrier3A)
    %dma_wait3A_63 = arith.constant 0 : i32
    %dma_wait3A_64 = arith.constant 0 : i32
    %dma_wait3A_65 = tpu.memref_slice %arg2[%dma_wait3A_63, %dma_wait3A_64] : memref<2048x128xf32, #tpu.memory_space<hbm>> -> memref<2048x128xf32, #tpu.memory_space<hbm>>
    tpu.wait_indirect_dma semaphore(%arg18 : memref<!tpu.dma_semaphore, #tpu.memory_space<semaphore_mem>>) src(%dma_wait3A_65 : memref<2048x128xf32, #tpu.memory_space<hbm>>) dst(%arg11 : memref<128x128xf32, #tpu.memory_space<vmem>>)
    "tpu.region"() ({
      %run_scoped3A = tpu.sem_alloc : memref<!tpu.dma_semaphore, #tpu.memory_space<semaphore_mem>>
      %dma_start3A_70 = arith.constant 0 : i32
      %dma_start3A_71 = arith.constant 0 : i32
      %dma_start3A_72 = tpu.memref_slice %arg14[%dma_start3A_70, %dma_start3A_71] : memref<2048x128xf32, #tpu.memory_space<vmem_shared>> -> memref<2048x128xf32, #tpu.memory_space<vmem_shared>>
      tpu.enqueue_indirect_dma source(%arg11 : memref<128x128xf32, #tpu.memory_space<vmem>>) target(%dma_start3A_72 : memref<2048x128xf32, #tpu.memory_space<vmem_shared>>) offsets(%arg9 : memref<128xi32, #tpu.memory_space<vmem>>) semaphore(%run_scoped3A : memref<!tpu.dma_semaphore, #tpu.memory_space<semaphore_mem>>) {add = true}
      %dma_wait3A_73 = arith.constant 0 : i32
      %dma_wait3A_74 = arith.constant 0 : i32
      %dma_wait3A_75 = tpu.memref_slice %arg14[%dma_wait3A_73, %dma_wait3A_74] : memref<2048x128xf32, #tpu.memory_space<vmem_shared>> -> memref<2048x128xf32, #tpu.memory_space<vmem_shared>>
      tpu.wait_indirect_dma semaphore(%run_scoped3A : memref<!tpu.dma_semaphore, #tpu.memory_space<semaphore_mem>>) src(%arg11 : memref<128x128xf32, #tpu.memory_space<vmem>>) dst(%dma_wait3A_75 : memref<2048x128xf32, #tpu.memory_space<vmem_shared>>)
      tpu.yield
    }) : () -> ()
    %dma_wait3A_66 = arith.constant 0 : i32
    %dma_wait3A_67 = arith.constant 0 : i32
    %dma_wait3A_68 = tpu.memref_slice %arg2[%dma_wait3A_66, %dma_wait3A_67] : memref<2048x128xf32, #tpu.memory_space<hbm>> -> memref<2048x128xf32, #tpu.memory_space<hbm>>
    tpu.wait_indirect_dma semaphore(%arg19 : memref<!tpu.dma_semaphore, #tpu.memory_space<semaphore_mem>>) src(%dma_wait3A_68 : memref<2048x128xf32, #tpu.memory_space<hbm>>) dst(%arg12 : memref<128x128xf32, #tpu.memory_space<vmem>>)
    "tpu.region"() ({
      %run_scoped3A = tpu.sem_alloc : memref<!tpu.dma_semaphore, #tpu.memory_space<semaphore_mem>>
      %dma_start3A_70 = arith.constant 0 : i32
      %dma_start3A_71 = arith.constant 0 : i32
      %dma_start3A_72 = tpu.memref_slice %arg14[%dma_start3A_70, %dma_start3A_71] : memref<2048x128xf32, #tpu.memory_space<vmem_shared>> -> memref<2048x128xf32, #tpu.memory_space<vmem_shared>>
      tpu.enqueue_indirect_dma source(%arg12 : memref<128x128xf32, #tpu.memory_space<vmem>>) target(%dma_start3A_72 : memref<2048x128xf32, #tpu.memory_space<vmem_shared>>) offsets(%arg10 : memref<128xi32, #tpu.memory_space<vmem>>) semaphore(%run_scoped3A : memref<!tpu.dma_semaphore, #tpu.memory_space<semaphore_mem>>) {add = true}
      %dma_wait3A_73 = arith.constant 0 : i32
      %dma_wait3A_74 = arith.constant 0 : i32
      %dma_wait3A_75 = tpu.memref_slice %arg14[%dma_wait3A_73, %dma_wait3A_74] : memref<2048x128xf32, #tpu.memory_space<vmem_shared>> -> memref<2048x128xf32, #tpu.memory_space<vmem_shared>>
      tpu.wait_indirect_dma semaphore(%run_scoped3A : memref<!tpu.dma_semaphore, #tpu.memory_space<semaphore_mem>>) src(%arg12 : memref<128x128xf32, #tpu.memory_space<vmem>>) dst(%dma_wait3A_75 : memref<2048x128xf32, #tpu.memory_space<vmem_shared>>)
      tpu.yield
    }) : () -> ()
    %barrier3A_69 = arith.constant 0 : index
    tpu.barrier barrier_id(%barrier3A_69)
    "tpu.region"() ({
      %run_scoped3A = tpu.sem_alloc : memref<!tpu.dma_semaphore, #tpu.memory_space<semaphore_mem>>
      %dma_start3A_70 = arith.constant 0 : i32
      %dma_start3A_71 = tpu.memref_slice %arg14[%mul3A_2, %dma_start3A_70] : memref<2048x128xf32, #tpu.memory_space<vmem_shared>> -> memref<128x128xf32, #tpu.memory_space<vmem_shared>>
      %dma_start3A_72 = arith.constant 0 : i32
      %dma_start3A_73 = tpu.memref_slice %arg14[%mul3A_2, %dma_start3A_72] : memref<2048x128xf32, #tpu.memory_space<vmem_shared>> -> memref<128x128xf32, #tpu.memory_space<vmem_shared>>
      tpu.enqueue_dma source(%dma_start3A_73 : memref<128x128xf32, #tpu.memory_space<vmem_shared>>) target(%arg13 : memref<128x128xf32, #tpu.memory_space<vmem>>) target_semaphore(%run_scoped3A : memref<!tpu.dma_semaphore, #tpu.memory_space<semaphore_mem>>)
      %dma_wait3A_74 = arith.constant 0 : i32
      %dma_wait3A_75 = tpu.memref_slice %arg14[%mul3A_2, %dma_wait3A_74] : memref<2048x128xf32, #tpu.memory_space<vmem_shared>> -> memref<128x128xf32, #tpu.memory_space<vmem_shared>>
      %dma_wait3A_76 = arith.constant 0 : i32
      %dma_wait3A_77 = tpu.memref_slice %arg14[%mul3A_2, %dma_wait3A_76] : memref<2048x128xf32, #tpu.memory_space<vmem_shared>> -> memref<128x128xf32, #tpu.memory_space<vmem_shared>>
      tpu.wait_dma2 semaphore(%run_scoped3A : memref<!tpu.dma_semaphore, #tpu.memory_space<semaphore_mem>>) src(%dma_wait3A_77 : memref<128x128xf32, #tpu.memory_space<vmem_shared>>) dst(%arg13 : memref<128x128xf32, #tpu.memory_space<vmem>>)
      tpu.yield
    }) : () -> ()
    "tpu.region"() ({
      %run_scoped3A = tpu.sem_alloc : memref<!tpu.dma_semaphore, #tpu.memory_space<semaphore_mem>>
      %dma_start3A_70 = arith.constant 0 : i32
      %dma_start3A_71 = tpu.memref_slice %arg6[%arg0, %mul3A_2, %dma_start3A_70] : memref<2x2048x128xf32, #tpu.memory_space<hbm>> -> memref<1x128x128xf32, #tpu.memory_space<hbm>>
      %dma_start3A_72 = tpu.memref_squeeze %dma_start3A_71 : memref<1x128x128xf32, #tpu.memory_space<hbm>> -> memref<128x128xf32, #tpu.memory_space<hbm>>
      %dma_start3A_73 = arith.constant 0 : i32
      %dma_start3A_74 = tpu.memref_slice %arg6[%arg0, %mul3A_2, %dma_start3A_73] : memref<2x2048x128xf32, #tpu.memory_space<hbm>> -> memref<1x128x128xf32, #tpu.memory_space<hbm>>
      %dma_start3A_75 = tpu.memref_squeeze %dma_start3A_74 : memref<1x128x128xf32, #tpu.memory_space<hbm>> -> memref<128x128xf32, #tpu.memory_space<hbm>>
      tpu.enqueue_dma source(%arg13 : memref<128x128xf32, #tpu.memory_space<vmem>>) target(%dma_start3A_75 : memref<128x128xf32, #tpu.memory_space<hbm>>) target_semaphore(%run_scoped3A : memref<!tpu.dma_semaphore, #tpu.memory_space<semaphore_mem>>)
      %dma_wait3A_76 = arith.constant 0 : i32
      %dma_wait3A_77 = tpu.memref_slice %arg6[%arg0, %mul3A_2, %dma_wait3A_76] : memref<2x2048x128xf32, #tpu.memory_space<hbm>> -> memref<1x128x128xf32, #tpu.memory_space<hbm>>
      %dma_wait3A_78 = tpu.memref_squeeze %dma_wait3A_77 : memref<1x128x128xf32, #tpu.memory_space<hbm>> -> memref<128x128xf32, #tpu.memory_space<hbm>>
      %dma_wait3A_79 = arith.constant 0 : i32
      %dma_wait3A_80 = tpu.memref_slice %arg6[%arg0, %mul3A_2, %dma_wait3A_79] : memref<2x2048x128xf32, #tpu.memory_space<hbm>> -> memref<1x128x128xf32, #tpu.memory_space<hbm>>
      %dma_wait3A_81 = tpu.memref_squeeze %dma_wait3A_80 : memref<1x128x128xf32, #tpu.memory_space<hbm>> -> memref<128x128xf32, #tpu.memory_space<hbm>>
      tpu.wait_dma2 semaphore(%run_scoped3A : memref<!tpu.dma_semaphore, #tpu.memory_space<semaphore_mem>>) src(%arg13 : memref<128x128xf32, #tpu.memory_space<vmem>>) dst(%dma_wait3A_81 : memref<128x128xf32, #tpu.memory_space<hbm>>)
      tpu.yield
    }) : () -> ()
    return
  }
}

</mosaic_0001>

<sc_bundles>
// kernel: _sc_scatter.3.cloned.1.call-start
scs
__scs_entry_jumppad:
0x0: {  	(pc) =	sbr.rel $0x88, $3  }
0x1: {  	(tag) =	ssettag $0x0;
	lr =	simm.s32 $0x1  }
0x2: {  	[smem:$0x3F9D] =	sst lr;
	_ =	strace $0xD0000000  }
0x3: {  	_ = 	snop  }
0x4: {  	_ = 	snop  }
0x5: {  	_ = 	snop  }
0x6: {  	_ = 	snop  }
0x7: {  	_ = 	snop  }
__scs_overlays_trampoline_lowered:
0x8: {  	[smem:$0x3FAC] =	sst s0  }
0x9: {  	[smem:$0x3FAD] =	sst s1  }
0xa: {  	[smem:$0x3FAE] =	sst s2  }
0xb: {  	[smem:$0x3FAF] =	sst s3  }
0xc: {  	[smem:$0x3FB0] =	sst s4  }
0xd: {  	[smem:$0x3FB1] =	sst s5  }
0xe: {  	[smem:$0x3FB2] =	sst s6  }
0xf: {  	[smem:$0x3FB3] =	sst s7  }
0x10: {  	[smem:$0x3FB4] =	sst s8  }
0x11: {  	[smem:$0x3FB5] =	sst s9;
	s0 =	simm.s32 @!p0 $0x0  }
0x12: {  	s1 =	sld [smem:$0x3F9B];
	s0 =	simm.s32 @p0 $0x1  }
0x13: {  	[smem:$0x3FB6] =	sst s0;
	s0 =	simm.s32 @!p1 $0x0  }
0x14: {  	s2 =	sld [smem:$0x3F9A];
	s0 =	simm.s32 @p1 $0x1  }
0x15: {  	[smem:$0x3FB7] =	sst s0;
	s0 =	simm.s32 @!p2 $0x0  }
0x16: {  	s3 =	sld [smem:$0x3FDB];
	s0 =	simm.s32 @p2 $0x1  }
0x17: {  	s4 =	simm.s32 $0x1BF5;
	[smem:$0x3FB9] =	sst s0  }
0x18: {  	s0 =	sld [smem:$0x3F9C];
	_ =	swait.ge [sflag:s4], $0x0  }
0x19: {  	s7 =	sld [smem:$0x3F9D]  }
0x1a: {  	s8 =	sadd.s32 $0xFFFFE003, lr  }
0x1b: {  	s9 =	sadd.s32 $0xFFFFFEF7, lr;
	s5 =	simm.s32 $0xFFFFFFFF;
	p2 =	slt.u32 s8, $0xFFFFF086  }
0x1c: {  	p1 =	slt.u32 s9, $0xF7A;
	s5 =	simm.s32 @!p2 $0x0  }
0x1d: {  	s5 =	simm.s32 @p1 $0x1;
	p0 =	seq.s32 s7, s2  }
0x1e: {  	s7 =	smul.u32 @!p0 $0xF7A, s2;
	p2 =	seq.s32 @!p0 s5, $0x0  }
0x1f: {  	s9 =	smul.u32 $0xF7A, s1;
	s8 =	simm.s32 @!p0 $0x1BF5;
	p2 =	por !p2, p0  }
0x20: {  	[sflag:s8] =	ssyncset.s32 @!p0 $0xFFFFF086;
	s6 =	sadd.s32 @!p0 s3, s7;
	s7 =	simm.s32 @!p0 $0x108  }
0x21: {  	s3 =	sadd.s32 s3, s9;
	s6 =	sadd.s32 @!p0 $0x88, s6;
	s7 =	simm.s32 @p2 $0x1082  }
0x22: {  	[simem:s7], [sflag:s8] =	dma.local @!p0 [hbm:s6], $0xF7A  }
0x23: {  	s9 =	sor.u32 $0xD0000000, s2;
	s6 =	simm.s32 $0x108;
	_ =	swait.ge @!p0 [sflag:s8], $0x0  }
0x24: {  	s3 =	sadd.s32 $0x88, s3;
	s6 =	simm.s32 @!p1 $0x1082;
	[sflag:s4] =	ssyncset.s32 $0xFFFFF086  }
0x25: {  	[simem:s6], [sflag:s4] =	dma.local [hbm:s3], $0xF7A  }
0x26: {  	[smem:$0x3F9D] =	sst s1;
	(tag) =	ssettag s2;
	_ =	strace s9  }
0x27: {  	s1 =	sld [smem:$0x3FAD]  }
0x28: {  	s2 =	sld [smem:$0x3FAE]  }
0x29: {  	s4 =	sld [smem:$0x3FB0]  }
0x2a: {  	p0 =	seq.s32 s5, $0x0;
	s5 =	sld [smem:$0x3FB1]  }
0x2b: {  	s6 =	sld [smem:$0x3FB2]  }
0x2c: {  	s7 =	sld [smem:$0x3FB3]  }
0x2d: {  	s3 =	simm.s32 $0x108;
	s8 =	sld [smem:$0x3FB4]  }
0x2e: {  	s3 =	simm.s32 @!p0 $0x1082;
	s9 =	sld [smem:$0x3FB5]  }
0x2f: {  	lr =	sadd.s32 s0, s3;
	s0 =	sld [smem:$0x3FAC]  }
0x30: {  	s3 =	sld [smem:$0x3FAF]  }
0x31: {  	[smem:$0x3FB8] =	sst s10  }
0x32: {  	s10 =	sld [smem:$0x3FB6];
	_ =	sdelay $0x3  }
0x33: {  	p0 =	seq.s32 s10, $0x1;
	s10 =	sld [smem:$0x3FB8];
	_ =	sdelay $0x3  }
0x34: {  	[smem:$0x3FB8] =	sst s10  }
0x35: {  	s10 =	sld [smem:$0x3FB7];
	_ =	sdelay $0x3  }
0x36: {  	p1 =	seq.s32 s10, $0x1;
	s10 =	sld [smem:$0x3FB8];
	_ =	sdelay $0x3  }
0x37: {  	[smem:$0x3FB8] =	sst s10  }
0x38: {  	s10 =	sld [smem:$0x3FB9]  }
0x39: {  	_ = 	snop;
	(pc) =	sbr.ind lr, $3  }
0x3a: {  	_ = 	snop  }
0x3b: {  	_ = 	snop  }
0x3c: {  	p2 =	seq.s32 s10, $0x1;
	s10 =	sld [smem:$0x3FB8]  }
0x3d: {  	_ =	shalt  }
0x3e: {  	_ =	shalt  }
0x3f: {  	_ =	shalt  }
0x40: {  	_ =	shalt  }
0x41: {  	_ =	shalt  }
0x42: {  	_ =	shalt  }
0x43: {  	_ =	shalt  }
0x44: {  	_ =	shalt  }
0x45: {  	_ =	shalt  }
0x46: {  	_ =	shalt  }
0x47: {  	_ =	shalt  }
0x48: {  	_ =	shalt  }
0x49: {  	_ =	shalt  }
0x4a: {  	_ =	shalt  }
0x4b: {  	_ =	shalt  }
0x4c: {  	_ =	shalt  }
0x4d: {  	_ =	shalt  }
0x4e: {  	_ =	shalt  }
0x4f: {  	_ =	shalt  }
0x50: {  	_ =	shalt  }
0x51: {  	_ =	shalt  }
0x52: {  	_ =	shalt  }
0x53: {  	_ =	shalt  }
0x54: {  	_ =	shalt  }
0x55: {  	_ =	shalt  }
0x56: {  	_ =	shalt  }
0x57: {  	_ =	shalt  }
0x58: {  	_ =	shalt  }
0x59: {  	_ =	shalt  }
0x5a: {  	_ =	shalt  }
0x5b: {  	_ =	shalt  }
0x5c: {  	_ =	shalt  }
0x5d: {  	_ =	shalt  }
0x5e: {  	_ =	shalt  }
0x5f: {  	_ =	shalt  }
0x60: {  	_ =	shalt  }
0x61: {  	_ =	shalt  }
0x62: {  	_ =	shalt  }
0x63: {  	_ =	shalt  }
0x64: {  	_ =	shalt  }
0x65: {  	_ =	shalt  }
0x66: {  	_ =	shalt  }
0x67: {  	_ =	shalt  }
0x68: {  	_ =	shalt  }
0x69: {  	_ =	shalt  }
0x6a: {  	_ =	shalt  }
0x6b: {  	_ =	shalt  }
0x6c: {  	_ =	shalt  }
0x6d: {  	_ =	shalt  }
0x6e: {  	_ =	shalt  }
0x6f: {  	_ =	shalt  }
0x70: {  	_ =	shalt  }
0x71: {  	_ =	shalt  }
0x72: {  	_ =	shalt  }
0x73: {  	_ =	shalt  }
0x74: {  	_ =	shalt  }
0x75: {  	_ =	shalt  }
0x76: {  	_ =	shalt  }
0x77: {  	_ =	shalt  }
0x78: {  	_ =	shalt  }
0x79: {  	_ =	shalt  }
0x7a: {  	_ =	shalt  }
0x7b: {  	_ =	shalt  }
0x7c: {  	_ =	shalt  }
0x7d: {  	_ =	shalt  }
0x7e: {  	_ =	shalt  }
0x7f: {  	_ =	shalt  }
0x80: {  	_ =	shalt  }
0x81: {  	_ =	shalt  }
0x82: {  	_ =	shalt  }
0x83: {  	_ =	shalt  }
0x84: {  	_ =	shalt  }
0x85: {  	_ =	shalt  }
0x86: {  	_ =	shalt  }
0x87: {  	_ =	shalt  }
.Lfunc_end0:
.L_simem_size_0:
called_computation_lowered:
.L_overlay_start_0:
0x88: {  	s2 =	sld [smem:$0x3FD9]  }
0x89: {  	s3 =	sld [smem:$0x3FFE];
	_ =	sdelay $0x1  }
0x8a: {  	s1 =	srdreg.scid  }
0x8b: {  	s0 =	sand.u32 $0x1, s1  }
0x8c: {  	s18 =	sshll.u32 s0, $0xA;
	s2 =	sadd.s32 s3, s2  }
0x8d: {  	s2 =	sadd.s32 s2, s18  }
0x8e: {  	[smem:$0x3FC4] =	sst s2  }
0x8f: {  	_ = 	snop  }
0x90: {  	s2 =	sld [smem:$0x3FC9]  }
0x91: {  	s19 =	sld [smem:$0x3FC8]  }
0x92: {  	s4 =	sld [smem:$0x3FC7]  }
0x93: {  	s5 =	sld [smem:$0x3FC6]  }
0x94: {  	s6 =	sld [smem:$0x3FD0];
	(tm) =	ssettm $0x1  }
0x95: {  	s7 =	sld [smem:$0x3FFB];
	_ =	sdelay $0x3  }
0x96: {  	_ =	strace s7  }
0x97: {  	s7 =	sld [smem:$0x3FFC];
	_ =	sdelay $0x3  }
0x98: {  	_ =	strace s7  }
0x99: {  	s7 =	sld [smem:$0x3FFD];
	_ =	sdelay $0x3  }
0x9a: {  	_ =	strace s7  }
0x9b: {  	_ =	strace $0x8FFFFFFF  }
0x9c: {  	s20 =	sld [smem:$0x3FDB];
	_ =	sdelay $0x1  }
0x9d: {  	s8 =	simm.s32 $_scs_section_size  }
0x9e: {  	s9 =	simm.s32 $_size__tile_overlayer_lowered;
	s10 =	simm.s32 $_tile_overlayer_lowered  }
0x9f: {  	s23 =	simm.s32 $0x1BFF;
	s22 =	sshll.u32 s10, $0x1;
	s7 =	sadd.s32 s8, s20  }
0xa0: {  	s11 =	simm.s32 $0x0;
	s21 =	sshll.u32 s9, $0x1;
	s9 =	sadd.s32 s22, s7  }
0xa1: {  	[timem:s11], [sflag:s23] =	dma.local [hbm:s9], s21  }
0xa2: {  	_ =	swait.ge [sflag:s23], s21  }
0xa3: {  	s8 =	ssub.s32 $0x0, s21;
	[sflag:s23] =	ssyncset.done $0x0  }
0xa4: {  	[sflag:s23] =	ssyncadd.s32 s8;
	_ =	sdelay $0x1  }
0xa5: {  	s24 =	simm.s32 $0x1B8B  }
0xa6: {  	_ =	swait.ge [sflag:s24], $0x1  }
0xa7: {  	[sflag:s24] =	ssyncset.done $0x0  }
0xa8: {  	s25 =	simm.s32 $0x1B8E;
	[sflag:s24] =	ssyncadd.s32 $0xFFFFFFFF  }
0xa9: {  	s26 =	simm.s32 $execute0_lowered;
	[smem:$0x3FD2] =	sst s25  }
0xaa: {  	s8 =	sshll.u32 s26, $0x1;
	_ =	strace $0x80000046;
	[dreg:$0x1] =	wrdreg $0xFFFFFFFF  }
0xab: {  	s28 =	simm.s32 $_size_execute0_lowered;
	s7 =	sadd.s32 s7, s8;
	[dreg:$0x0] =	wrdreg $0x0  }
0xac: {  	s8 =	sshll.u32 s28, $0x1;
	[dreg:$0x2] =	wrdreg s7  }
0xad: {  	[dreg:$0x3] =	wrdreg s8  }
0xae: {  	[dreg:$0x4] =	wrdreg $0xC0  }
0xaf: {  	_ =	task [dreg:s11], $0x5FFFF  }
0xb0: {  	[dreg:$0x1] =	wrdreg $0xFFFFFFFF  }
0xb1: {  	[dreg:$0x0] =	wrdreg $0x60  }
0xb2: {  	[dreg:$0x2] =	wrdreg s2  }
0xb3: {  	[dreg:$0x3] =	wrdreg s19  }
0xb4: {  	[dreg:$0x4] =	wrdreg s4  }
0xb5: {  	[dreg:$0x5] =	wrdreg s5  }
0xb6: {  	[dreg:$0x6] =	wrdreg s6  }
0xb7: {  	[dreg:$0x7] =	wrdreg $0xC2000  }
0xb8: {  	[dreg:$0x8] =	wrdreg $0x9  }
0xb9: {  	_ =	task.clear_ibuf [dreg:s11], $0x9FFFF;
	_ =	strace $0x90000046  }
0xba: {  	s29 =	simm.s32 $0x9;
	_ =	strace $0x80000048  }
0xbb: {  	_ =	swait.ge [sflag:s29], $0x1  }
0xbc: {  	[sflag:s29] =	ssyncadd.s32 $0xFFFFFFFF  }
0xbd: {  	_ =	strace $0x90000048  }
0xbe: {  	_ =	sfence  }
0xbf: {  	s30 =	sld [smem:$0x0];
	_ =	sdelay $0x2  }
0xc0: {  	s31 =	sshll.u32 s1, $0xD;
	s1 =	sshrl.u32 s1, $0x2  }
0xc1: {  	s3 =	sand.u32 $0x4000, s31;
	s1 =	sadd.s32 s1, s30  }
0xc2: {  	s0 =	sor.u32 s3, s0;
	s1 =	sshll.u32 s1, $0x11  }
0xc3: {  	s0 =	sor.u32 s1, s0  }
0xc4: {  	s0 =	sadd.s32 $0x8F2B, s0  }
0xc5: {  	[sflag:s0] =	ssyncadd.remote.s32 $0x1  }
0xc6: {  	_ =	sfence.sel $0xFFFF  }
0xc7: {  	[dreg:$0x0] =	wrdreg $0xFFFFFFFF;
	(pc) =	sbr.abs _section_cstart, $3  }
0xc8: {  	[dreg:$0x1] =	wrdreg $0xFFFFFFFF  }
0xc9: {  	_ =	task.clear_ibuf [dreg:s11], $0x2FFFF;
	_ =	strace $0x9FFFFFFF  }
0xca: {  	(tm) =	ssettm $0x7FFFFFFF  }
0xcb: {  	_ =	shalt  }
tec
execute0_lowered:
.L_overlay_start_1:
0x0: {  	(tag) =	ssettag $0x1  }
0x1: {  	s1 =	rddreg [dreg:$0x0]  }
0x2: {  	s6 =	rddreg [dreg:$0x1]  }
0x3: {  	s10 =	rddreg [dreg:$0x2]  }
0x4: {  	s12 =	rddreg [dreg:$0x3]  }
0x5: {  	s23 =	rddreg [dreg:$0x4]  }
0x6: {  	s3 =	rddreg [dreg:$0x5];
	s4 =	srdreg.scid  }
0x7: {  	s0 =	rddreg [dreg:$0x6];
	s2 =	stileid.u32;
	s24 =	sand.u32 $0x1, s4  }
0x8: {  	s4 =	simm.s32 $0x0;
	s5 =	sshll.u32 s2, $0x6;
	s7 =	sshll.u32 s24, $0x5  }
0x9: {  	[smem:$0x7FF] =	sst s4;
	s8 =	sor.u32 s7, s5  }
0xa: {  	_ =	strace $0x80000047;
	s5 =	sadd.s32 s6, s8;
	s11 =	sor.u32 $0x10, s8  }
0xb: {  	[tilespmem:s4], [sflag:$0x1] =	stream.linear.gather [hbm4b:s5+s4], $0x80, $0x38;
	[tilespmem:$0x10200] =	vst v63  }
0xc: {  	s7 =	simm.s32 $0x80;
	s6 =	sadd.s32 s6, s11  }
0xd: {  	[tilespmem:s7], [sflag:$0x2] =	stream.linear.gather [hbm4b:s6+s4], $0x80, $0x38;
	[tilespmem:$0x10200] =	vst v63  }
0xe: {  	s9 =	simm.s32 $0x100;
	s8 =	sadd.s32 s10, s8  }
0xf: {  	[tilespmem:s9], [sflag:$0x3] =	stream.linear.gather [hbm4b:s8+s4], $0x80, $0x38;
	[tilespmem:$0x10200] =	vst v63  }
0x10: {  	s25 =	sshll.u32 s2, $0xB;
	s10 =	sadd.s32 s10, s11;
	s11 =	simm.s32 $0x180  }
0x11: {  	[tilespmem:s11], [sflag:$0x3] =	stream.linear.gather [hbm4b:s10+s4], $0x80, $0x38;
	[tilespmem:$0x10200] =	vst v63  }
0x12: {  	s14 =	simm.s32 $0x8200;
	s13 =	simm.s32 $0x6;
	s12 =	sadd.s32 s12, s25  }
0x13: {  	[tilespmem:s14], [sflag:$0x6] =	stream.linear.gather [hbm4b:s12+s4], $0x4000, $0x38;
	[tilespmem:$0x10200] =	vst v63  }
0x14: {  	_ =	swait.ge [sflag:s13], $0x4000  }
0x15: {  	s15 =	sshll.u32 s2, $0xE;
	[sflag:s13] =	ssyncset.done $0x0  }
0x16: {  	s15 =	sadd.s32 s15, s3;
	[sflag:s13] =	ssyncadd.s32 $0xFFFFC000  }
0x17: {  	[spmem:s15] =	stream.linear.scatter [tilespmem:s14], [sflag:$0x6], $0x4000, $0x38;
	[tilespmem:$0x10200] =	vst v63  }
0x18: {  	_ =	swait.ge [sflag:s13], $0x4000  }
0x19: {  	[sflag:s13] =	ssyncset.done $0x0  }
0x1a: {  	s16 =	simm.s32 $0x1;
	[sflag:s13] =	ssyncadd.s32 $0xFFFFC000  }
0x1b: {  	_ =	swait.ge [sflag:s16], $0x80  }
0x1c: {  	[sflag:s16] =	ssyncset.done $0x0  }
0x1d: {  	s17 =	simm.s32 $0x200;
	s18 =	simm.s32 $0x2;
	[sflag:s16] =	ssyncadd.s32 $0xFFFFFF80  }
0x1e: {  	[tilespmem:s17], [sflag:$0x4] =	stream.indirect.gather [hbm4b:s1+s7], $0x80, s4, s7, $0xb8;
	[tilespmem:$0x10200] =	vst v63  }
0x1f: {  	_ =	swait.ge [sflag:s18], $0x80  }
0x20: {  	[sflag:s18] =	ssyncset.done $0x0  }
0x21: {  	s19 =	simm.s32 $0x4200;
	s20 =	simm.s32 $0x3;
	[sflag:s18] =	ssyncadd.s32 $0xFFFFFF80  }
0x22: {  	[tilespmem:s19], [sflag:$0x5] =	stream.indirect.gather [hbm4b:s1+s7], $0x80, s7, s7, $0xb8;
	[tilespmem:$0x10200] =	vst v63  }
0x23: {  	_ =	swait.ge [sflag:s20], $0x80  }
0x24: {  	[sflag:s20] =	ssyncset.done $0x0  }
0x25: {  	[sflag:s20] =	ssyncadd.s32 $0xFFFFFF80  }
0x26: {  	_ =	swait.ge [sflag:s20], $0x80  }
0x27: {  	[sflag:s20] =	ssyncset.done $0x0  }
0x28: {  	[sflag:s20] =	ssyncadd.s32 $0xFFFFFF80  }
0x29: {  	s21 =	simm.s32 $0x4;
	[bflag:$0x0] =	sbarrier.arrive $0xFFFF  }
0x2a: {  	_ =	swait.ge [sflag:s21], $0x4000  }
0x2b: {  	[sflag:s21] =	ssyncset.done $0x0  }
0x2c: {  	[sflag:s21] =	ssyncadd.s32 $0xFFFFC000  }
0x2d: {  	[spmem:s3] =	stream.indirect.scatter.add.f32 [tilespmem:s17], [sflag:$0x6], $0x80, s9, s7, $0xb8;
	[tilespmem:$0x10200] =	vst v63  }
0x2e: {  	_ =	swait.ge [sflag:s13], $0x4000  }
0x2f: {  	[sflag:s13] =	ssyncset.done $0x0  }
0x30: {  	s22 =	simm.s32 $0x5;
	[sflag:s13] =	ssyncadd.s32 $0xFFFFC000  }
0x31: {  	_ =	swait.ge [sflag:s22], $0x4000  }
0x32: {  	[sflag:s22] =	ssyncset.done $0x0  }
0x33: {  	[sflag:s22] =	ssyncadd.s32 $0xFFFFC000  }
0x34: {  	[spmem:s3] =	stream.indirect.scatter.add.f32 [tilespmem:s19], [sflag:$0x6], $0x80, s11, s7, $0xb8;
	[tilespmem:$0x10200] =	vst v63  }
0x35: {  	s26 =	ssub.s32 $0x2, s24;
	_ =	swait.ge [sflag:s13], $0x4000  }
0x36: {  	s28 =	sshrl.u32 s26, $0x1;
	[sflag:s13] =	ssyncset.done $0x0  }
0x37: {  	s26 =	ssub.s32 s26, s28;
	[sflag:s13] =	ssyncadd.s32 $0xFFFFC000  }
0x38: {  	s31 =	smax.u32 s26, $0x1;
	[bflag:$0x0] =	sbarrier.arrive $0xFFFF  }
0x39: {  	[tilespmem:s14], [sflag:$0x6] =	stream.linear.gather [spmem:s15], $0x4000, $0x38;
	[tilespmem:$0x10200] =	vst v63  }
0x3a: {  	s23 =	sadd.s32 s23, s25;
	p0 =	sne.s32 s31, $0x1;
	_ =	swait.ge [sflag:s13], $0x4000  }
.Ltmp0:
0x3b: {  	s24 =	sshll.u32 s24, $0xF;
	[sflag:s13] =	ssyncset.done $0x0;
	(pc) =	sbr.rel @!p0 .LBB2_2-.Ltmp0, $4  }
0x3c: {  	s23 =	sadd.s32 s24, s23;
	[sflag:s13] =	ssyncadd.s32 $0xFFFFC000  }
0x3d: {  	[hbm4b:s23+s4] =	stream.linear.scatter [tilespmem:s14], [sflag:$0x6], $0x4000, $0x38;
	[tilespmem:$0x10200] =	vst v63  }
0x3e: {  	_ =	swait.ge [sflag:s13], $0x4000  }
0x3f: {  	s24 =	sadd.s32 $0xFFFFFFFF, s31;
	[sflag:s13] =	ssyncset.done $0x0  }
.LBB2_1:
0x40: {  	p0 =	sne.s32 s24, $0x1;
	s24 =	sadd.s32 $0xFFFFFFFF, s24;
	[sflag:s13] =	ssyncadd.s32 $0xFFFFC000  }
0x41: {  	[tilespmem:s4], [sflag:$0x1] =	stream.linear.gather [hbm4b:s5+s4], $0x80, $0x38;
	[tilespmem:$0x10200] =	vst v63  }
0x42: {  	_ = 	snop  }
0x43: {  	[tilespmem:s7], [sflag:$0x2] =	stream.linear.gather [hbm4b:s6+s4], $0x80, $0x38;
	[tilespmem:$0x10200] =	vst v63  }
0x44: {  	_ = 	snop  }
0x45: {  	[tilespmem:s9], [sflag:$0x3] =	stream.linear.gather [hbm4b:s8+s4], $0x80, $0x38;
	[tilespmem:$0x10200] =	vst v63  }
0x46: {  	_ = 	snop  }
0x47: {  	[tilespmem:s11], [sflag:$0x3] =	stream.linear.gather [hbm4b:s10+s4], $0x80, $0x38;
	[tilespmem:$0x10200] =	vst v63  }
0x48: {  	_ = 	snop  }
0x49: {  	[tilespmem:s14], [sflag:$0x6] =	stream.linear.gather [hbm4b:s12+s4], $0x4000, $0x38;
	[tilespmem:$0x10200] =	vst v63  }
0x4a: {  	_ =	swait.ge [sflag:s13], $0x4000  }
0x4b: {  	[sflag:s13] =	ssyncset.done $0x0  }
0x4c: {  	[sflag:s13] =	ssyncadd.s32 $0xFFFFC000  }
0x4d: {  	[spmem:s15] =	stream.linear.scatter [tilespmem:s14], [sflag:$0x6], $0x4000, $0x38;
	[tilespmem:$0x10200] =	vst v63  }
0x4e: {  	_ =	swait.ge [sflag:s13], $0x4000  }
0x4f: {  	[sflag:s13] =	ssyncset.done $0x0  }
0x50: {  	[sflag:s13] =	ssyncadd.s32 $0xFFFFC000  }
0x51: {  	_ =	swait.ge [sflag:s16], $0x80  }
0x52: {  	[sflag:s16] =	ssyncset.done $0x0  }
0x53: {  	[sflag:s16] =	ssyncadd.s32 $0xFFFFFF80  }
0x54: {  	[tilespmem:s17], [sflag:$0x4] =	stream.indirect.gather [hbm4b:s1+s7], $0x80, s4, s7, $0xb8;
	[tilespmem:$0x10200] =	vst v63  }
0x55: {  	_ =	swait.ge [sflag:s18], $0x80  }
0x56: {  	[sflag:s18] =	ssyncset.done $0x0  }
0x57: {  	[sflag:s18] =	ssyncadd.s32 $0xFFFFFF80  }
0x58: {  	[tilespmem:s19], [sflag:$0x5] =	stream.indirect.gather [hbm4b:s1+s7], $0x80, s7, s7, $0xb8;
	[tilespmem:$0x10200] =	vst v63  }
0x59: {  	_ =	swait.ge [sflag:s20], $0x80  }
0x5a: {  	[sflag:s20] =	ssyncset.done $0x0  }
0x5b: {  	[sflag:s20] =	ssyncadd.s32 $0xFFFFFF80  }
0x5c: {  	_ =	swait.ge [sflag:s20], $0x80  }
0x5d: {  	[sflag:s20] =	ssyncset.done $0x0  }
0x5e: {  	[sflag:s20] =	ssyncadd.s32 $0xFFFFFF80  }
0x5f: {  	[bflag:$0x0] =	sbarrier.arrive $0xFFFF  }
0x60: {  	_ =	swait.ge [sflag:s21], $0x4000  }
0x61: {  	[sflag:s21] =	ssyncset.done $0x0  }
0x62: {  	[sflag:s21] =	ssyncadd.s32 $0xFFFFC000  }
0x63: {  	[spmem:s3] =	stream.indirect.scatter.add.f32 [tilespmem:s17], [sflag:$0x6], $0x80, s9, s7, $0xb8;
	[tilespmem:$0x10200] =	vst v63  }
0x64: {  	_ =	swait.ge [sflag:s13], $0x4000  }
0x65: {  	[sflag:s13] =	ssyncset.done $0x0  }
0x66: {  	[sflag:s13] =	ssyncadd.s32 $0xFFFFC000  }
0x67: {  	_ =	swait.ge [sflag:s22], $0x4000  }
0x68: {  	[sflag:s22] =	ssyncset.done $0x0  }
0x69: {  	[sflag:s22] =	ssyncadd.s32 $0xFFFFC000  }
0x6a: {  	[spmem:s3] =	stream.indirect.scatter.add.f32 [tilespmem:s19], [sflag:$0x6], $0x80, s11, s7, $0xb8;
	[tilespmem:$0x10200] =	vst v63  }
0x6b: {  	_ =	swait.ge [sflag:s13], $0x4000  }
0x6c: {  	[sflag:s13] =	ssyncset.done $0x0  }
0x6d: {  	[sflag:s13] =	ssyncadd.s32 $0xFFFFC000  }
0x6e: {  	[bflag:$0x0] =	sbarrier.arrive $0xFFFF  }
0x6f: {  	[tilespmem:s14], [sflag:$0x6] =	stream.linear.gather [spmem:s15], $0x4000, $0x38;
	[tilespmem:$0x10200] =	vst v63  }
0x70: {  	_ =	swait.ge [sflag:s13], $0x4000  }
.Ltmp1:
0x71: {  	[sflag:s13] =	ssyncset.done $0x0;
	(pc) =	sbr.rel @p0 .LBB2_1-.Ltmp1, $4  }
0x72: {  	[sflag:s13] =	ssyncadd.s32 $0xFFFFC000  }
0x73: {  	[hbm4b:s23+s4] =	stream.linear.scatter [tilespmem:s14], [sflag:$0x6], $0x4000, $0x38;
	[tilespmem:$0x10200] =	vst v63  }
0x74: {  	_ =	swait.ge [sflag:s13], $0x4000  }
0x75: {  	[sflag:s13] =	ssyncset.done $0x0  }
.LBB2_2:
0x76: {  	[sflag:s13] =	ssyncadd.s32 $0xFFFFC000  }
0x77: {  	_ =	sfence.sel $0x180000  }
0x78: {  	[bflag:$0x0] =	sbarrier.arrive $0xFFFF  }
0x79: {  	p0 =	sne.s32 s2, $0x0;
	_ =	strace $0x90000047  }
0x7a: {  	s0 =	sadd.s32 @!p0 $0x100000, s0;
	[bflag:$0x2] =	sbarrier.arrive $0xFFFF  }
0x7b: {  	[sflag:s0] =	ssyncadd.tile.s32 @!p0 $0x1;
	_ =	shalt  }
.Lfunc_end2:
_tile_overlayer_lowered:
.L_overlay_start_2:
0x7c: {  	(tag) =	ssettag $0x2  }
0x7d: {  	s0 =	rddreg [dreg:$0x0];
	s2 =	stileid.u32  }
0x7e: {  	s1 =	rddreg [dreg:$0x1];
	p0 =	sne.s32 s2, $0x0  }
0x7f: {  	s3 =	rddreg [dreg:$0x2];
	[bflag:$0x3] =	sbarrier.arrive $0xFFFF;
	s2 =	simm.s32 @!p0 $0x1C06  }
0x80: {  	[timem:s3], [sflag:s2] =	dma.local @!p0 [hbm:s0], s1  }
0x81: {  	s0 =	simm.s32 @!p0 $0x6  }
0x82: {  	_ =	swait.ge @!p0 [sflag:s0], s1  }
0x83: {  	s1 =	ssub.s32 @!p0 $0x0, s1;
	[sflag:s0] =	ssyncset.done @!p0 $0x0  }
0x84: {  	[sflag:s0] =	ssyncadd.s32 @!p0 s1  }
0x85: {  	[bflag:$0x3] =	sbarrier.arrive $0xFFFF  }
0x86: {  	_ =	shalt  }

</sc_bundles>
